<compile_context>
chip_gen: v7x
topology: tpu7x:2x2x1
jax: 0.10.2.dev20260603
libtpu: 0.0.44.dev20260713+nightly
codegen_flags: <defaults>
</compile_context>

<pallas_src>
import functools

import jax
import jax.numpy as jnp
from jax import lax
from jax.experimental import pallas as pl
from jax.experimental.pallas import tpu as pltpu
from jax.experimental.pallas import tpu_sc as plsc

E = 8
K = 2
BN = 4096


def _logits_body(x_ref, w_ref, b_ref, out_ref):
    out_ref[:, :] = lax.dot_general(
        w_ref[:, :], x_ref[:, :],
        dimension_numbers=(((1,), (1,)), ((), ())),
        preferred_element_type=jnp.float32,
    ) + b_ref[:, :]


def _logits_t_chunk(x, W, b2, block_base, nc):
    d = x.shape[1]
    grid = nc // BN
    return pl.pallas_call(
        _logits_body,
        grid=(grid,),
        in_specs=[
            pl.BlockSpec((BN, d), lambda i: (block_base + i, 0)),
            pl.BlockSpec((E, d), lambda i: (0, 0)),
            pl.BlockSpec((E, 1), lambda i: (0, 0)),
        ],
        out_specs=pl.BlockSpec((E, BN), lambda i: (0, i)),
        out_shape=jax.ShapeDtypeStruct((E, nc), jnp.float32),
        compiler_params=pltpu.CompilerParams(
            dimension_semantics=("parallel",),
        ),
    )(x, W, b2)


def _fused_body(x_ref, w_ref, b_ref, g_ref, i_ref):
    lg = lax.dot_general(
        w_ref[:, :], x_ref[:, :],
        dimension_numbers=(((1,), (1,)), ((), ())),
        preferred_element_type=jnp.float32,
    ) + b_ref[:, :]
    it = lax.broadcasted_iota(jnp.int32, (E, BN), 0)
    m1 = jnp.max(lg, axis=0, keepdims=True)
    a1 = jnp.min(jnp.where(lg == m1, it, E), axis=0, keepdims=True)
    cand = jnp.where(it == a1, -jnp.inf, lg)
    m2 = jnp.max(cand, axis=0, keepdims=True)
    a2 = jnp.min(jnp.where(cand == m2, it, E), axis=0, keepdims=True)
    s = jnp.exp(m2 - m1)
    inv = 1.0 / (1.0 + s)
    g_ref[0:1, :] = inv
    g_ref[1:2, :] = s * inv
    i_ref[0:1, :] = a1
    i_ref[1:2, :] = a2


def _routed_chunk_tc(x, W, b2, block_base, nc):
    d = x.shape[1]
    grid = nc // BN
    return pl.pallas_call(
        _fused_body,
        grid=(grid,),
        in_specs=[
            pl.BlockSpec((BN, d), lambda i: (block_base + i, 0)),
            pl.BlockSpec((E, d), lambda i: (0, 0)),
            pl.BlockSpec((E, 1), lambda i: (0, 0)),
        ],
        out_specs=[
            pl.BlockSpec((K, BN), lambda i: (0, i)),
            pl.BlockSpec((K, BN), lambda i: (0, i)),
        ],
        out_shape=[
            jax.ShapeDtypeStruct((K, nc), jnp.float32),
            jax.ShapeDtypeStruct((K, nc), jnp.int32),
        ],
        compiler_params=pltpu.CompilerParams(
            dimension_semantics=("parallel",),
        ),
    )(x, W, b2)


def _make_router(nc):
    nw = 32
    tpw = nc // nw

    @functools.partial(
        pl.kernel,
        out_type=[
            jax.ShapeDtypeStruct((K, nc), jnp.float32),
            jax.ShapeDtypeStruct((K, nc), jnp.int32),
        ],
        mesh=plsc.VectorSubcoreMesh(core_axis_name="c", subcore_axis_name="s"),
        scratch_types=[
            pltpu.VMEM((E, tpw), jnp.float32),
            pltpu.VMEM((K, tpw), jnp.float32),
            pltpu.VMEM((K, tpw), jnp.int32),
        ],
    )
    def router(logits_hbm, gates_hbm, idx_hbm, lv, gv, iv):
        wid = lax.axis_index("s") * 2 + lax.axis_index("c")
        base = wid * tpw
        pltpu.sync_copy(logits_hbm.at[:, pl.ds(base, tpw)], lv)

        neg = jnp.full((16,), -1e30, jnp.float32)

        def body(g, carry):
            t = g * 16
            v = [lv[e, pl.ds(t, 16)] for e in range(E)]
            m1 = v[0]
            a1 = jnp.zeros((16,), jnp.int32)
            for e in range(1, E):
                gt = v[e] > m1
                m1 = jnp.where(gt, v[e], m1)
                a1 = jnp.where(gt, jnp.full((16,), e, jnp.int32), a1)
            m2 = neg
            a2 = jnp.zeros((16,), jnp.int32)
            for e in range(E):
                ev = jnp.full((16,), e, jnp.int32)
                cand = jnp.where(a1 == ev, neg, v[e])
                gt = cand > m2
                m2 = jnp.where(gt, cand, m2)
                a2 = jnp.where(gt, ev, a2)
            s = jnp.exp(m2 - m1)
            inv = 1.0 / (1.0 + s)
            gv[0, pl.ds(t, 16)] = inv
            gv[1, pl.ds(t, 16)] = s * inv
            iv[0, pl.ds(t, 16)] = a1
            iv[1, pl.ds(t, 16)] = a2
            return carry

        lax.fori_loop(0, tpw // 16, body, 0)
        pltpu.sync_copy(gv, gates_hbm.at[:, pl.ds(base, tpw)])
        pltpu.sync_copy(iv, idx_hbm.at[:, pl.ds(base, tpw)])

    return router


def kernel(x, W, b):
    n = x.shape[0]
    nsc = 4096
    b2 = b.reshape(E, 1)
    lt0 = _logits_t_chunk(x, W, b2, 0, nsc)
    g0, i0 = _make_router(nsc)(lt0)
    g1, i1 = _routed_chunk_tc(x, W, b2, nsc // BN, n - nsc)
    gates_t = jnp.concatenate([g0, g1], axis=1)
    idx_t = jnp.concatenate([i0, i1], axis=1)
    return gates_t.T, idx_t.T

# --- scband reference (transcript-rebuilt; emitter-appended) ---
"""Pipeline reference for scband-top-krouter-45114336477542 (READ-ONLY COPY).

The authoritative reference and input builder live on the scoring server;
editing this copy changes nothing except your own understanding.
"""

import jax, jax.numpy as jnp
import numpy as np

D = 768
E = 8
K = 2

def setup_inputs(seed: int = 0) -> dict:
    key = jax.random.key(seed)
    k1, k2 = jax.random.split(key, 2)
    x = jax.random.normal(k1, (32768, D), dtype=jnp.float32)
    # xavier_uniform init for nn.Linear(d, n_experts): weight shape [E, D]
    limit = float(np.sqrt(6.0 / (D + E)))
    W = jax.random.uniform(k2, (E, D), minval=-limit, maxval=limit, dtype=jnp.float32)
    b = jnp.zeros((E,), dtype=jnp.float32)
    return {"x": x, "W": W, "b": b}

def reference(x, W, b):
    # logits = Linear(x) ; noisy=False (and eval mode) so no noise added
    logits = x @ W.T + b
    topk_vals, topk_idx = jax.lax.top_k(logits, K)
    gates = jax.nn.softmax(topk_vals, axis=-1)
    return (gates, topk_idx)

if __name__ == "__main__":
    import jax
    _d = setup_inputs()
    print(jax.jit(kernel)(*tuple(_d.values())))

</pallas_src>

<mosaic_0001>
#map = affine_map<(d0, d1) -> (0, 0)>
module attributes {stable_mosaic.version = 14 : i64} {
  func.func @router(%arg0: i32, %arg1: i32, %arg2: memref<8x4096xf32, #tpu.memory_space<hbm>>, %arg3: memref<2x4096xf32, #tpu.memory_space<hbm>>, %arg4: memref<2x4096xi32, #tpu.memory_space<hbm>>, %arg5: memref<8x128xf32, #tpu.memory_space<vmem>>, %arg6: memref<2x128xf32, #tpu.memory_space<vmem>>, %arg7: memref<2x128xi32, #tpu.memory_space<vmem>>) attributes {dimension_semantics = [#tpu.dimension_semantics<core_parallel>, #tpu.dimension_semantics<subcore_parallel>], iteration_bounds = array<i64: 2, 16>, scalar_prefetch = 0 : i64, scratch_operands = 3 : i64, tpu.core_type = #tpu.core_type<sc_vector_subcore>, window_params = [{transform_indices = #map}, {transform_indices = #map}, {transform_indices = #map}]} {
    %mul3A = arith.constant 2 : i32
    %mul3A_0 = arith.muli %arg1, %mul3A : i32
    %add3A = arith.addi %mul3A_0, %arg0 : i32
    %mul3A_1 = arith.constant 128 : i32
    %mul3A_2 = arith.muli %add3A, %mul3A_1 : i32
    "tpu.region"() ({
      %run_scoped3A = tpu.sem_alloc : memref<!tpu.dma_semaphore, #tpu.memory_space<semaphore_mem>>
      %dma_start3A = arith.constant 0 : i32
      %dma_start3A_9 = tpu.memref_slice %arg2[%dma_start3A, %mul3A_2] : memref<8x4096xf32, #tpu.memory_space<hbm>> -> memref<8x128xf32, #tpu.memory_space<hbm>>
      %dma_start3A_10 = arith.constant 0 : i32
      %dma_start3A_11 = tpu.memref_slice %arg2[%dma_start3A_10, %mul3A_2] : memref<8x4096xf32, #tpu.memory_space<hbm>> -> memref<8x128xf32, #tpu.memory_space<hbm>>
      tpu.enqueue_dma source(%dma_start3A_11 : memref<8x128xf32, #tpu.memory_space<hbm>>) target(%arg5 : memref<8x128xf32, #tpu.memory_space<vmem>>) target_semaphore(%run_scoped3A : memref<!tpu.dma_semaphore, #tpu.memory_space<semaphore_mem>>)
      %dma_wait3A = arith.constant 0 : i32
      %dma_wait3A_12 = tpu.memref_slice %arg2[%dma_wait3A, %mul3A_2] : memref<8x4096xf32, #tpu.memory_space<hbm>> -> memref<8x128xf32, #tpu.memory_space<hbm>>
      %dma_wait3A_13 = arith.constant 0 : i32
      %dma_wait3A_14 = tpu.memref_slice %arg2[%dma_wait3A_13, %mul3A_2] : memref<8x4096xf32, #tpu.memory_space<hbm>> -> memref<8x128xf32, #tpu.memory_space<hbm>>
      tpu.wait_dma2 semaphore(%run_scoped3A : memref<!tpu.dma_semaphore, #tpu.memory_space<semaphore_mem>>) src(%dma_wait3A_14 : memref<8x128xf32, #tpu.memory_space<hbm>>) dst(%arg5 : memref<8x128xf32, #tpu.memory_space<vmem>>)
      tpu.yield
    }) : () -> ()
    %broadcast_in_dim3A = arith.constant -1.000000e+30 : f32
    %broadcast_in_dim3A_3 = vector.broadcast %broadcast_in_dim3A : f32 to vector<16xf32>
    %scan3A = arith.constant 0 : i32
    %scan3A_4 = arith.constant 0 : i32
    %scan3A_5 = arith.constant 8 : i32
    %scan3A_6 = arith.addi %scan3A_4, %scan3A_5 : i32
    %scan3A_7 = arith.constant 1 : i32
    scf.for %scan3A_9 = %scan3A_4 to %scan3A_6 step %scan3A_7  : i32 {
      %mul3A_10 = arith.constant 16 : i32
      %mul3A_11 = arith.muli %scan3A_9, %mul3A_10 : i32
      %get3A = arith.constant 0 : i32
      %get3A_12 = arith.index_cast %get3A : i32 to index
      %get3A_13 = arith.index_cast %mul3A_11 : i32 to index
      %get3A_14 = tpu.vector_load %arg5[%get3A_12, %get3A_13] {strides = array<i32>} : memref<8x128xf32, #tpu.memory_space<vmem>>, vector<1x16xf32>,
      %get3A_15 = vector.shape_cast %get3A_14 : vector<1x16xf32> to vector<16xf32>
      %get3A_16 = arith.constant 1 : i32
      %get3A_17 = arith.index_cast %get3A_16 : i32 to index
      %get3A_18 = arith.index_cast %mul3A_11 : i32 to index
      %get3A_19 = tpu.vector_load %arg5[%get3A_17, %get3A_18] {strides = array<i32>} : memref<8x128xf32, #tpu.memory_space<vmem>>, vector<1x16xf32>,
      %get3A_20 = vector.shape_cast %get3A_19 : vector<1x16xf32> to vector<16xf32>
      %get3A_21 = arith.constant 2 : i32
      %get3A_22 = arith.index_cast %get3A_21 : i32 to index
      %get3A_23 = arith.index_cast %mul3A_11 : i32 to index
      %get3A_24 = tpu.vector_load %arg5[%get3A_22, %get3A_23] {strides = array<i32>} : memref<8x128xf32, #tpu.memory_space<vmem>>, vector<1x16xf32>,
      %get3A_25 = vector.shape_cast %get3A_24 : vector<1x16xf32> to vector<16xf32>
      %get3A_26 = arith.constant 3 : i32
      %get3A_27 = arith.index_cast %get3A_26 : i32 to index
      %get3A_28 = arith.index_cast %mul3A_11 : i32 to index
      %get3A_29 = tpu.vector_load %arg5[%get3A_27, %get3A_28] {strides = array<i32>} : memref<8x128xf32, #tpu.memory_space<vmem>>, vector<1x16xf32>,
      %get3A_30 = vector.shape_cast %get3A_29 : vector<1x16xf32> to vector<16xf32>
      %get3A_31 = arith.constant 4 : i32
      %get3A_32 = arith.index_cast %get3A_31 : i32 to index
      %get3A_33 = arith.index_cast %mul3A_11 : i32 to index
      %get3A_34 = tpu.vector_load %arg5[%get3A_32, %get3A_33] {strides = array<i32>} : memref<8x128xf32, #tpu.memory_space<vmem>>, vector<1x16xf32>,
      %get3A_35 = vector.shape_cast %get3A_34 : vector<1x16xf32> to vector<16xf32>
      %get3A_36 = arith.constant 5 : i32
      %get3A_37 = arith.index_cast %get3A_36 : i32 to index
      %get3A_38 = arith.index_cast %mul3A_11 : i32 to index
      %get3A_39 = tpu.vector_load %arg5[%get3A_37, %get3A_38] {strides = array<i32>} : memref<8x128xf32, #tpu.memory_space<vmem>>, vector<1x16xf32>,
      %get3A_40 = vector.shape_cast %get3A_39 : vector<1x16xf32> to vector<16xf32>
      %get3A_41 = arith.constant 6 : i32
      %get3A_42 = arith.index_cast %get3A_41 : i32 to index
      %get3A_43 = arith.index_cast %mul3A_11 : i32 to index
      %get3A_44 = tpu.vector_load %arg5[%get3A_42, %get3A_43] {strides = array<i32>} : memref<8x128xf32, #tpu.memory_space<vmem>>, vector<1x16xf32>,
      %get3A_45 = vector.shape_cast %get3A_44 : vector<1x16xf32> to vector<16xf32>
      %get3A_46 = arith.constant 7 : i32
      %get3A_47 = arith.index_cast %get3A_46 : i32 to index
      %get3A_48 = arith.index_cast %mul3A_11 : i32 to index
      %get3A_49 = tpu.vector_load %arg5[%get3A_47, %get3A_48] {strides = array<i32>} : memref<8x128xf32, #tpu.memory_space<vmem>>, vector<1x16xf32>,
      %get3A_50 = vector.shape_cast %get3A_49 : vector<1x16xf32> to vector<16xf32>
      %broadcast_in_dim3A_51 = arith.constant 0 : i32
      %broadcast_in_dim3A_52 = vector.broadcast %broadcast_in_dim3A_51 : i32 to vector<16xi32>
      %gt3A = arith.cmpf ogt, %get3A_20, %get3A_15 : vector<16xf32>
      %select_n3A = arith.select %gt3A, %get3A_20, %get3A_15 : vector<16xi1>, vector<16xf32>
      %broadcast_in_dim3A_53 = arith.constant 1 : i32
      %broadcast_in_dim3A_54 = vector.broadcast %broadcast_in_dim3A_53 : i32 to vector<16xi32>
      %select_n3A_55 = arith.select %gt3A, %broadcast_in_dim3A_54, %broadcast_in_dim3A_52 : vector<16xi1>, vector<16xi32>
      %gt3A_56 = arith.cmpf ogt, %get3A_25, %select_n3A : vector<16xf32>
      %select_n3A_57 = arith.select %gt3A_56, %get3A_25, %select_n3A : vector<16xi1>, vector<16xf32>
      %broadcast_in_dim3A_58 = arith.constant 2 : i32
      %broadcast_in_dim3A_59 = vector.broadcast %broadcast_in_dim3A_58 : i32 to vector<16xi32>
      %select_n3A_60 = arith.select %gt3A_56, %broadcast_in_dim3A_59, %select_n3A_55 : vector<16xi1>, vector<16xi32>
      %gt3A_61 = arith.cmpf ogt, %get3A_30, %select_n3A_57 : vector<16xf32>
      %select_n3A_62 = arith.select %gt3A_61, %get3A_30, %select_n3A_57 : vector<16xi1>, vector<16xf32>
      %broadcast_in_dim3A_63 = arith.constant 3 : i32
      %broadcast_in_dim3A_64 = vector.broadcast %broadcast_in_dim3A_63 : i32 to vector<16xi32>
      %select_n3A_65 = arith.select %gt3A_61, %broadcast_in_dim3A_64, %select_n3A_60 : vector<16xi1>, vector<16xi32>
      %gt3A_66 = arith.cmpf ogt, %get3A_35, %select_n3A_62 : vector<16xf32>
      %select_n3A_67 = arith.select %gt3A_66, %get3A_35, %select_n3A_62 : vector<16xi1>, vector<16xf32>
      %broadcast_in_dim3A_68 = arith.constant 4 : i32
      %broadcast_in_dim3A_69 = vector.broadcast %broadcast_in_dim3A_68 : i32 to vector<16xi32>
      %select_n3A_70 = arith.select %gt3A_66, %broadcast_in_dim3A_69, %select_n3A_65 : vector<16xi1>, vector<16xi32>
      %gt3A_71 = arith.cmpf ogt, %get3A_40, %select_n3A_67 : vector<16xf32>
      %select_n3A_72 = arith.select %gt3A_71, %get3A_40, %select_n3A_67 : vector<16xi1>, vector<16xf32>
      %broadcast_in_dim3A_73 = arith.constant 5 : i32
      %broadcast_in_dim3A_74 = vector.broadcast %broadcast_in_dim3A_73 : i32 to vector<16xi32>
      %select_n3A_75 = arith.select %gt3A_71, %broadcast_in_dim3A_74, %select_n3A_70 : vector<16xi1>, vector<16xi32>
      %gt3A_76 = arith.cmpf ogt, %get3A_45, %select_n3A_72 : vector<16xf32>
      %select_n3A_77 = arith.select %gt3A_76, %get3A_45, %select_n3A_72 : vector<16xi1>, vector<16xf32>
      %broadcast_in_dim3A_78 = arith.constant 6 : i32
      %broadcast_in_dim3A_79 = vector.broadcast %broadcast_in_dim3A_78 : i32 to vector<16xi32>
      %select_n3A_80 = arith.select %gt3A_76, %broadcast_in_dim3A_79, %select_n3A_75 : vector<16xi1>, vector<16xi32>
      %gt3A_81 = arith.cmpf ogt, %get3A_50, %select_n3A_77 : vector<16xf32>
      %select_n3A_82 = arith.select %gt3A_81, %get3A_50, %select_n3A_77 : vector<16xi1>, vector<16xf32>
      %broadcast_in_dim3A_83 = arith.constant 7 : i32
      %broadcast_in_dim3A_84 = vector.broadcast %broadcast_in_dim3A_83 : i32 to vector<16xi32>
      %select_n3A_85 = arith.select %gt3A_81, %broadcast_in_dim3A_84, %select_n3A_80 : vector<16xi1>, vector<16xi32>
      %broadcast_in_dim3A_86 = arith.constant 0 : i32
      %broadcast_in_dim3A_87 = vector.broadcast %broadcast_in_dim3A_86 : i32 to vector<16xi32>
      %broadcast_in_dim3A_88 = arith.constant 0 : i32
      %broadcast_in_dim3A_89 = vector.broadcast %broadcast_in_dim3A_88 : i32 to vector<16xi32>
      %eq3A = arith.cmpi eq, %select_n3A_85, %broadcast_in_dim3A_89 : vector<16xi32>
      %select_n3A_90 = arith.select %eq3A, %broadcast_in_dim3A_3, %get3A_15 : vector<16xi1>, vector<16xf32>
      %gt3A_91 = arith.cmpf ogt, %select_n3A_90, %broadcast_in_dim3A_3 : vector<16xf32>
      %select_n3A_92 = arith.select %gt3A_91, %select_n3A_90, %broadcast_in_dim3A_3 : vector<16xi1>, vector<16xf32>
      %select_n3A_93 = arith.select %gt3A_91, %broadcast_in_dim3A_89, %broadcast_in_dim3A_87 : vector<16xi1>, vector<16xi32>
      %broadcast_in_dim3A_94 = arith.constant 1 : i32
      %broadcast_in_dim3A_95 = vector.broadcast %broadcast_in_dim3A_94 : i32 to vector<16xi32>
      %eq3A_96 = arith.cmpi eq, %select_n3A_85, %broadcast_in_dim3A_95 : vector<16xi32>
      %select_n3A_97 = arith.select %eq3A_96, %broadcast_in_dim3A_3, %get3A_20 : vector<16xi1>, vector<16xf32>
      %gt3A_98 = arith.cmpf ogt, %select_n3A_97, %select_n3A_92 : vector<16xf32>
      %select_n3A_99 = arith.select %gt3A_98, %select_n3A_97, %select_n3A_92 : vector<16xi1>, vector<16xf32>
      %select_n3A_100 = arith.select %gt3A_98, %broadcast_in_dim3A_95, %select_n3A_93 : vector<16xi1>, vector<16xi32>
      %broadcast_in_dim3A_101 = arith.constant 2 : i32
      %broadcast_in_dim3A_102 = vector.broadcast %broadcast_in_dim3A_101 : i32 to vector<16xi32>
      %eq3A_103 = arith.cmpi eq, %select_n3A_85, %broadcast_in_dim3A_102 : vector<16xi32>
      %select_n3A_104 = arith.select %eq3A_103, %broadcast_in_dim3A_3, %get3A_25 : vector<16xi1>, vector<16xf32>
      %gt3A_105 = arith.cmpf ogt, %select_n3A_104, %select_n3A_99 : vector<16xf32>
      %select_n3A_106 = arith.select %gt3A_105, %select_n3A_104, %select_n3A_99 : vector<16xi1>, vector<16xf32>
      %select_n3A_107 = arith.select %gt3A_105, %broadcast_in_dim3A_102, %select_n3A_100 : vector<16xi1>, vector<16xi32>
      %broadcast_in_dim3A_108 = arith.constant 3 : i32
      %broadcast_in_dim3A_109 = vector.broadcast %broadcast_in_dim3A_108 : i32 to vector<16xi32>
      %eq3A_110 = arith.cmpi eq, %select_n3A_85, %broadcast_in_dim3A_109 : vector<16xi32>
      %select_n3A_111 = arith.select %eq3A_110, %broadcast_in_dim3A_3, %get3A_30 : vector<16xi1>, vector<16xf32>
      %gt3A_112 = arith.cmpf ogt, %select_n3A_111, %select_n3A_106 : vector<16xf32>
      %select_n3A_113 = arith.select %gt3A_112, %select_n3A_111, %select_n3A_106 : vector<16xi1>, vector<16xf32>
      %select_n3A_114 = arith.select %gt3A_112, %broadcast_in_dim3A_109, %select_n3A_107 : vector<16xi1>, vector<16xi32>
      %broadcast_in_dim3A_115 = arith.constant 4 : i32
      %broadcast_in_dim3A_116 = vector.broadcast %broadcast_in_dim3A_115 : i32 to vector<16xi32>
      %eq3A_117 = arith.cmpi eq, %select_n3A_85, %broadcast_in_dim3A_116 : vector<16xi32>
      %select_n3A_118 = arith.select %eq3A_117, %broadcast_in_dim3A_3, %get3A_35 : vector<16xi1>, vector<16xf32>
      %gt3A_119 = arith.cmpf ogt, %select_n3A_118, %select_n3A_113 : vector<16xf32>
      %select_n3A_120 = arith.select %gt3A_119, %select_n3A_118, %select_n3A_113 : vector<16xi1>, vector<16xf32>
      %select_n3A_121 = arith.select %gt3A_119, %broadcast_in_dim3A_116, %select_n3A_114 : vector<16xi1>, vector<16xi32>
      %broadcast_in_dim3A_122 = arith.constant 5 : i32
      %broadcast_in_dim3A_123 = vector.broadcast %broadcast_in_dim3A_122 : i32 to vector<16xi32>
      %eq3A_124 = arith.cmpi eq, %select_n3A_85, %broadcast_in_dim3A_123 : vector<16xi32>
      %select_n3A_125 = arith.select %eq3A_124, %broadcast_in_dim3A_3, %get3A_40 : vector<16xi1>, vector<16xf32>
      %gt3A_126 = arith.cmpf ogt, %select_n3A_125, %select_n3A_120 : vector<16xf32>
      %select_n3A_127 = arith.select %gt3A_126, %select_n3A_125, %select_n3A_120 : vector<16xi1>, vector<16xf32>
      %select_n3A_128 = arith.select %gt3A_126, %broadcast_in_dim3A_123, %select_n3A_121 : vector<16xi1>, vector<16xi32>
      %broadcast_in_dim3A_129 = arith.constant 6 : i32
      %broadcast_in_dim3A_130 = vector.broadcast %broadcast_in_dim3A_129 : i32 to vector<16xi32>
      %eq3A_131 = arith.cmpi eq, %select_n3A_85, %broadcast_in_dim3A_130 : vector<16xi32>
      %select_n3A_132 = arith.select %eq3A_131, %broadcast_in_dim3A_3, %get3A_45 : vector<16xi1>, vector<16xf32>
      %gt3A_133 = arith.cmpf ogt, %select_n3A_132, %select_n3A_127 : vector<16xf32>
      %select_n3A_134 = arith.select %gt3A_133, %select_n3A_132, %select_n3A_127 : vector<16xi1>, vector<16xf32>
      %select_n3A_135 = arith.select %gt3A_133, %broadcast_in_dim3A_130, %select_n3A_128 : vector<16xi1>, vector<16xi32>
      %broadcast_in_dim3A_136 = arith.constant 7 : i32
      %broadcast_in_dim3A_137 = vector.broadcast %broadcast_in_dim3A_136 : i32 to vector<16xi32>
      %eq3A_138 = arith.cmpi eq, %select_n3A_85, %broadcast_in_dim3A_137 : vector<16xi32>
      %select_n3A_139 = arith.select %eq3A_138, %broadcast_in_dim3A_3, %get3A_50 : vector<16xi1>, vector<16xf32>
      %gt3A_140 = arith.cmpf ogt, %select_n3A_139, %select_n3A_134 : vector<16xf32>
      %select_n3A_141 = arith.select %gt3A_140, %select_n3A_139, %select_n3A_134 : vector<16xi1>, vector<16xf32>
      %select_n3A_142 = arith.select %gt3A_140, %broadcast_in_dim3A_137, %select_n3A_135 : vector<16xi1>, vector<16xi32>
      %sub3A = arith.subf %select_n3A_141, %select_n3A_82 : vector<16xf32>
      %exp3A = math.exp %sub3A : vector<16xf32>
      %add3A_143 = arith.constant 1.000000e+00 : f32
      %add3A_144 = vector.broadcast %add3A_143 : f32 to vector<16xf32>
      %add3A_145 = arith.addf %add3A_144, %exp3A : vector<16xf32>
      %div3A = arith.constant 1.000000e+00 : f32
      %div3A_146 = vector.broadcast %div3A : f32 to vector<16xf32>
      %div3A_147 = arith.divf %div3A_146, %add3A_145 : vector<16xf32>
      %swap3A = arith.constant 0 : i32
      %swap3A_148 = arith.index_cast %swap3A : i32 to index
      %swap3A_149 = arith.index_cast %mul3A_11 : i32 to index
      %swap3A_150 = tpu.vector_load %arg6[%swap3A_148, %swap3A_149] {strides = array<i32>} : memref<2x128xf32, #tpu.memory_space<vmem>>, vector<1x16xf32>,
      %swap3A_151 = vector.shape_cast %swap3A_150 : vector<1x16xf32> to vector<16xf32>
      %swap3A_152 = vector.shape_cast %div3A_147 : vector<16xf32> to vector<1x16xf32>
      tpu.vector_store %arg6[%swap3A_148, %swap3A_149], %swap3A_152 {strides = array<i32>} : memref<2x128xf32, #tpu.memory_space<vmem>>, vector<1x16xf32>,
      %mul3A_153 = arith.mulf %exp3A, %div3A_147 : vector<16xf32>
      %swap3A_154 = arith.constant 1 : i32
      %swap3A_155 = arith.index_cast %swap3A_154 : i32 to index
      %swap3A_156 = arith.index_cast %mul3A_11 : i32 to index
      %swap3A_157 = tpu.vector_load %arg6[%swap3A_155, %swap3A_156] {strides = array<i32>} : memref<2x128xf32, #tpu.memory_space<vmem>>, vector<1x16xf32>,
      %swap3A_158 = vector.shape_cast %swap3A_157 : vector<1x16xf32> to vector<16xf32>
      %swap3A_159 = vector.shape_cast %mul3A_153 : vector<16xf32> to vector<1x16xf32>
      tpu.vector_store %arg6[%swap3A_155, %swap3A_156], %swap3A_159 {strides = array<i32>} : memref<2x128xf32, #tpu.memory_space<vmem>>, vector<1x16xf32>,
      %swap3A_160 = arith.constant 0 : i32
      %swap3A_161 = arith.index_cast %swap3A_160 : i32 to index
      %swap3A_162 = arith.index_cast %mul3A_11 : i32 to index
      %swap3A_163 = tpu.vector_load %arg7[%swap3A_161, %swap3A_162] {strides = array<i32>} : memref<2x128xi32, #tpu.memory_space<vmem>>, vector<1x16xi32>,
      %swap3A_164 = vector.shape_cast %swap3A_163 : vector<1x16xi32> to vector<16xi32>
      %swap3A_165 = vector.shape_cast %select_n3A_85 : vector<16xi32> to vector<1x16xi32>
      tpu.vector_store %arg7[%swap3A_161, %swap3A_162], %swap3A_165 {strides = array<i32>} : memref<2x128xi32, #tpu.memory_space<vmem>>, vector<1x16xi32>,
      %swap3A_166 = arith.constant 1 : i32
      %swap3A_167 = arith.index_cast %swap3A_166 : i32 to index
      %swap3A_168 = arith.index_cast %mul3A_11 : i32 to index
      %swap3A_169 = tpu.vector_load %arg7[%swap3A_167, %swap3A_168] {strides = array<i32>} : memref<2x128xi32, #tpu.memory_space<vmem>>, vector<1x16xi32>,
      %swap3A_170 = vector.shape_cast %swap3A_169 : vector<1x16xi32> to vector<16xi32>
      %swap3A_171 = vector.shape_cast %select_n3A_142 : vector<16xi32> to vector<1x16xi32>
      tpu.vector_store %arg7[%swap3A_167, %swap3A_168], %swap3A_171 {strides = array<i32>} : memref<2x128xi32, #tpu.memory_space<vmem>>, vector<1x16xi32>,
    }
    %scan3A_8 = arith.constant 8 : i32
    "tpu.region"() ({
      %run_scoped3A = tpu.sem_alloc : memref<!tpu.dma_semaphore, #tpu.memory_space<semaphore_mem>>
      %dma_start3A = arith.constant 0 : i32
      %dma_start3A_9 = tpu.memref_slice %arg3[%dma_start3A, %mul3A_2] : memref<2x4096xf32, #tpu.memory_space<hbm>> -> memref<2x128xf32, #tpu.memory_space<hbm>>
      %dma_start3A_10 = arith.constant 0 : i32
      %dma_start3A_11 = tpu.memref_slice %arg3[%dma_start3A_10, %mul3A_2] : memref<2x4096xf32, #tpu.memory_space<hbm>> -> memref<2x128xf32, #tpu.memory_space<hbm>>
      tpu.enqueue_dma source(%arg6 : memref<2x128xf32, #tpu.memory_space<vmem>>) target(%dma_start3A_11 : memref<2x128xf32, #tpu.memory_space<hbm>>) target_semaphore(%run_scoped3A : memref<!tpu.dma_semaphore, #tpu.memory_space<semaphore_mem>>)
      %dma_wait3A = arith.constant 0 : i32
      %dma_wait3A_12 = tpu.memref_slice %arg3[%dma_wait3A, %mul3A_2] : memref<2x4096xf32, #tpu.memory_space<hbm>> -> memref<2x128xf32, #tpu.memory_space<hbm>>
      %dma_wait3A_13 = arith.constant 0 : i32
      %dma_wait3A_14 = tpu.memref_slice %arg3[%dma_wait3A_13, %mul3A_2] : memref<2x4096xf32, #tpu.memory_space<hbm>> -> memref<2x128xf32, #tpu.memory_space<hbm>>
      tpu.wait_dma2 semaphore(%run_scoped3A : memref<!tpu.dma_semaphore, #tpu.memory_space<semaphore_mem>>) src(%arg6 : memref<2x128xf32, #tpu.memory_space<vmem>>) dst(%dma_wait3A_14 : memref<2x128xf32, #tpu.memory_space<hbm>>)
      tpu.yield
    }) : () -> ()
    "tpu.region"() ({
      %run_scoped3A = tpu.sem_alloc : memref<!tpu.dma_semaphore, #tpu.memory_space<semaphore_mem>>
      %dma_start3A = arith.constant 0 : i32
      %dma_start3A_9 = tpu.memref_slice %arg4[%dma_start3A, %mul3A_2] : memref<2x4096xi32, #tpu.memory_space<hbm>> -> memref<2x128xi32, #tpu.memory_space<hbm>>
      %dma_start3A_10 = arith.constant 0 : i32
      %dma_start3A_11 = tpu.memref_slice %arg4[%dma_start3A_10, %mul3A_2] : memref<2x4096xi32, #tpu.memory_space<hbm>> -> memref<2x128xi32, #tpu.memory_space<hbm>>
      tpu.enqueue_dma source(%arg7 : memref<2x128xi32, #tpu.memory_space<vmem>>) target(%dma_start3A_11 : memref<2x128xi32, #tpu.memory_space<hbm>>) target_semaphore(%run_scoped3A : memref<!tpu.dma_semaphore, #tpu.memory_space<semaphore_mem>>)
      %dma_wait3A = arith.constant 0 : i32
      %dma_wait3A_12 = tpu.memref_slice %arg4[%dma_wait3A, %mul3A_2] : memref<2x4096xi32, #tpu.memory_space<hbm>> -> memref<2x128xi32, #tpu.memory_space<hbm>>
      %dma_wait3A_13 = arith.constant 0 : i32
      %dma_wait3A_14 = tpu.memref_slice %arg4[%dma_wait3A_13, %mul3A_2] : memref<2x4096xi32, #tpu.memory_space<hbm>> -> memref<2x128xi32, #tpu.memory_space<hbm>>
      tpu.wait_dma2 semaphore(%run_scoped3A : memref<!tpu.dma_semaphore, #tpu.memory_space<semaphore_mem>>) src(%arg7 : memref<2x128xi32, #tpu.memory_space<vmem>>) dst(%dma_wait3A_14 : memref<2x128xi32, #tpu.memory_space<hbm>>)
      tpu.yield
    }) : () -> ()
    return
  }
}

module attributes {stable_mosaic.version = 14 : i64} {
  func.func @_fused_body(%arg0: i32, %arg1: memref<4096x768xf32, #tpu.memory_space<vmem>>, %arg2: memref<8x768xf32, #tpu.memory_space<vmem>>, %arg3: memref<8x1xf32, #tpu.memory_space<vmem>>, %arg4: memref<2x4096xf32, #tpu.memory_space<vmem>>, %arg5: memref<2x4096xi32, #tpu.memory_space<vmem>>) attributes {dimension_semantics = [#tpu.dimension_semantics<parallel>], iteration_bounds = array<i64: 7>, scalar_prefetch = 0 : i64, scratch_operands = 0 : i64, tpu.core_type = #tpu.core_type<tc>, window_params = [{transform_indices = @transform_0, window_bounds = array<i64: 4096, 768>}, {pipeline_mode = #tpu.pipeline_mode<synchronous>, transform_indices = @transform_1, window_bounds = array<i64: 8, 768>}, {pipeline_mode = #tpu.pipeline_mode<synchronous>, transform_indices = @transform_2, window_bounds = array<i64: 8, 1>}, {transform_indices = @transform_3, window_bounds = array<i64: 2, 4096>}, {transform_indices = @transform_4, window_bounds = array<i64: 2, 4096>}]} {
    %get3A = arith.constant 0 : index
    %get3A_0 = arith.constant 0 : index
    %get3A_1 = vector.load %arg2[%get3A, %get3A_0] : memref<8x768xf32, #tpu.memory_space<vmem>>, vector<8x768xf32>
    %get3A_2 = arith.constant 0 : index
    %get3A_3 = arith.constant 0 : index
    %get3A_4 = vector.load %arg1[%get3A_2, %get3A_3] : memref<4096x768xf32, #tpu.memory_space<vmem>>, vector<4096x768xf32>
    %dot_general3A = arith.constant dense<0.000000e+00> : vector<8x4096xf32>
    %dot_general3A_5 = tpu.matmul %get3A_1, %get3A_4, %dot_general3A {dimension_numbers = #tpu.dot_dimension_numbers<[1], [1], [0], [0], [0, 0, 1, 0], [], []>, transpose_lhs_hint = false} : vector<8x768xf32>, vector<4096x768xf32>, vector<8x4096xf32> -> vector<8x4096xf32>
    %get3A_6 = arith.constant 0 : index
    %get3A_7 = arith.constant 0 : index
    %get3A_8 = vector.load %arg3[%get3A_6, %get3A_7] : memref<8x1xf32, #tpu.memory_space<vmem>>, vector<8x1xf32>
    %add3A = vector.broadcast %get3A_8 : vector<8x1xf32> to vector<8x4096xf32>
    %add3A_9 = arith.addf %dot_general3A_5, %add3A : vector<8x4096xf32>
    %iota3A = tpu.iota {dimensions = array<i32: 0>} : vector<8x4096xi32>
    %reduce_max3A = arith.constant dense<0xFF800000> : vector<4096xf32>
    %reduce_max3A_10 = vector.multi_reduction <maximumf>, %add3A_9, %reduce_max3A [0] : vector<8x4096xf32> to vector<4096xf32>
    %broadcast_in_dim3A = vector.shape_cast %reduce_max3A_10 : vector<4096xf32> to vector<1x4096xf32>
    %eq3A = vector.broadcast %broadcast_in_dim3A : vector<1x4096xf32> to vector<8x4096xf32>
    %eq3A_11 = arith.cmpf oeq, %add3A_9, %eq3A : vector<8x4096xf32>
    %jit3A = arith.constant 8 : i32
    %broadcast_in_dim3A_12 = vector.broadcast %jit3A : i32 to vector<8x4096xi32>
    %select_n3A = arith.select %eq3A_11, %iota3A, %broadcast_in_dim3A_12 : vector<8x4096xi1>, vector<8x4096xi32>
    %reduce_min3A = arith.constant dense<2147483647> : vector<4096xi32>
    %reduce_min3A_13 = vector.multi_reduction <minsi>, %select_n3A, %reduce_min3A [0] : vector<8x4096xi32> to vector<4096xi32>
    %broadcast_in_dim3A_14 = vector.shape_cast %reduce_min3A_13 : vector<4096xi32> to vector<1x4096xi32>
    %eq3A_15 = vector.broadcast %broadcast_in_dim3A_14 : vector<1x4096xi32> to vector<8x4096xi32>
    %eq3A_16 = arith.cmpi eq, %iota3A, %eq3A_15 : vector<8x4096xi32>
    %jit3A_17 = arith.constant 0xFF800000 : f32
    %broadcast_in_dim3A_18 = vector.broadcast %jit3A_17 : f32 to vector<8x4096xf32>
    %select_n3A_19 = arith.select %eq3A_16, %broadcast_in_dim3A_18, %add3A_9 : vector<8x4096xi1>, vector<8x4096xf32>
    %reduce_max3A_20 = arith.constant dense<0xFF800000> : vector<4096xf32>
    %reduce_max3A_21 = vector.multi_reduction <maximumf>, %select_n3A_19, %reduce_max3A_20 [0] : vector<8x4096xf32> to vector<4096xf32>
    %broadcast_in_dim3A_22 = vector.shape_cast %reduce_max3A_21 : vector<4096xf32> to vector<1x4096xf32>
    %eq3A_23 = vector.broadcast %broadcast_in_dim3A_22 : vector<1x4096xf32> to vector<8x4096xf32>
    %eq3A_24 = arith.cmpf oeq, %select_n3A_19, %eq3A_23 : vector<8x4096xf32>
    %jit3A_25 = arith.constant 8 : i32
    %broadcast_in_dim3A_26 = vector.broadcast %jit3A_25 : i32 to vector<8x4096xi32>
    %select_n3A_27 = arith.select %eq3A_24, %iota3A, %broadcast_in_dim3A_26 : vector<8x4096xi1>, vector<8x4096xi32>
    %reduce_min3A_28 = arith.constant dense<2147483647> : vector<4096xi32>
    %reduce_min3A_29 = vector.multi_reduction <minsi>, %select_n3A_27, %reduce_min3A_28 [0] : vector<8x4096xi32> to vector<4096xi32>
    %broadcast_in_dim3A_30 = vector.shape_cast %reduce_min3A_29 : vector<4096xi32> to vector<1x4096xi32>
    %sub3A = arith.subf %broadcast_in_dim3A_22, %broadcast_in_dim3A : vector<1x4096xf32>
    %exp3A = math.exp %sub3A : vector<1x4096xf32>
    %add3A_31 = arith.constant 1.000000e+00 : f32
    %add3A_32 = vector.broadcast %add3A_31 : f32 to vector<1x4096xf32>
    %add3A_33 = arith.addf %add3A_32, %exp3A : vector<1x4096xf32>
    %div3A = arith.constant 1.000000e+00 : f32
    %div3A_34 = vector.broadcast %div3A : f32 to vector<1x4096xf32>
    %div3A_35 = arith.divf %div3A_34, %add3A_33 : vector<1x4096xf32>
    %swap3A = arith.constant 0 : index
    %swap3A_36 = arith.constant 0 : index
    %swap3A_37 = vector.load %arg4[%swap3A, %swap3A_36] : memref<2x4096xf32, #tpu.memory_space<vmem>>, vector<1x4096xf32>
    tpu.vector_store %arg4[%swap3A, %swap3A_36], %div3A_35 {strides = array<i32>} : memref<2x4096xf32, #tpu.memory_space<vmem>>, vector<1x4096xf32>,
    %mul3A = arith.mulf %exp3A, %div3A_35 : vector<1x4096xf32>
    %swap3A_38 = arith.constant 1 : index
    %swap3A_39 = arith.constant 0 : index
    %swap3A_40 = vector.load %arg4[%swap3A_38, %swap3A_39] : memref<2x4096xf32, #tpu.memory_space<vmem>>, vector<1x4096xf32>
    tpu.vector_store %arg4[%swap3A_38, %swap3A_39], %mul3A {strides = array<i32>} : memref<2x4096xf32, #tpu.memory_space<vmem>>, vector<1x4096xf32>,
    %swap3A_41 = arith.constant 0 : index
    %swap3A_42 = arith.constant 0 : index
    %swap3A_43 = vector.load %arg5[%swap3A_41, %swap3A_42] : memref<2x4096xi32, #tpu.memory_space<vmem>>, vector<1x4096xi32>
    tpu.vector_store %arg5[%swap3A_41, %swap3A_42], %broadcast_in_dim3A_14 {strides = array<i32>} : memref<2x4096xi32, #tpu.memory_space<vmem>>, vector<1x4096xi32>,
    %swap3A_44 = arith.constant 1 : index
    %swap3A_45 = arith.constant 0 : index
    %swap3A_46 = vector.load %arg5[%swap3A_44, %swap3A_45] : memref<2x4096xi32, #tpu.memory_space<vmem>>, vector<1x4096xi32>
    tpu.vector_store %arg5[%swap3A_44, %swap3A_45], %broadcast_in_dim3A_30 {strides = array<i32>} : memref<2x4096xi32, #tpu.memory_space<vmem>>, vector<1x4096xi32>,
    return
  }
  func.func @transform_0(%arg0: i32) -> (i32, i32) {
    %add3A = arith.constant 1 : i32
    %add3A_0 = arith.addi %add3A, %arg0 : i32
    %c0_i32 = arith.constant 0 : i32
    %c0_i32_1 = arith.constant 0 : i32
    return %add3A_0, %c0_i32 : i32, i32
  }
  func.func @transform_1(%arg0: i32) -> (i32, i32) {
    %c0_i32 = arith.constant 0 : i32
    %c0_i32_0 = arith.constant 0 : i32
    %c0_i32_1 = arith.constant 0 : i32
    return %c0_i32, %c0_i32_0 : i32, i32
  }
  func.func @transform_2(%arg0: i32) -> (i32, i32) {
    %c0_i32 = arith.constant 0 : i32
    %c0_i32_0 = arith.constant 0 : i32
    %c0_i32_1 = arith.constant 0 : i32
    return %c0_i32, %c0_i32_0 : i32, i32
  }
  func.func @transform_3(%arg0: i32) -> (i32, i32) {
    %c0_i32 = arith.constant 0 : i32
    %c0_i32_0 = arith.constant 0 : i32
    return %c0_i32, %arg0 : i32, i32
  }
  func.func @transform_4(%arg0: i32) -> (i32, i32) {
    %c0_i32 = arith.constant 0 : i32
    %c0_i32_0 = arith.constant 0 : i32
    return %c0_i32, %arg0 : i32, i32
  }
}

module attributes {stable_mosaic.version = 14 : i64} {
  func.func @_logits_body(%arg0: i32, %arg1: memref<4096x768xf32, #tpu.memory_space<vmem>>, %arg2: memref<8x768xf32, #tpu.memory_space<vmem>>, %arg3: memref<8x1xf32, #tpu.memory_space<vmem>>, %arg4: memref<8x4096xf32, #tpu.memory_space<vmem>>) attributes {dimension_semantics = [#tpu.dimension_semantics<parallel>], iteration_bounds = array<i64: 1>, scalar_prefetch = 0 : i64, scratch_operands = 0 : i64, tpu.core_type = #tpu.core_type<tc>, window_params = [{transform_indices = @transform_0, window_bounds = array<i64: 4096, 768>}, {pipeline_mode = #tpu.pipeline_mode<synchronous>, transform_indices = @transform_1, window_bounds = array<i64: 8, 768>}, {pipeline_mode = #tpu.pipeline_mode<synchronous>, transform_indices = @transform_2, window_bounds = array<i64: 8, 1>}, {transform_indices = @transform_3, window_bounds = array<i64: 8, 4096>}]} {
    %get3A = arith.constant 0 : index
    %get3A_0 = arith.constant 0 : index
    %get3A_1 = vector.load %arg2[%get3A, %get3A_0] : memref<8x768xf32, #tpu.memory_space<vmem>>, vector<8x768xf32>
    %get3A_2 = arith.constant 0 : index
    %get3A_3 = arith.constant 0 : index
    %get3A_4 = vector.load %arg1[%get3A_2, %get3A_3] : memref<4096x768xf32, #tpu.memory_space<vmem>>, vector<4096x768xf32>
    %dot_general3A = arith.constant dense<0.000000e+00> : vector<8x4096xf32>
    %dot_general3A_5 = tpu.matmul %get3A_1, %get3A_4, %dot_general3A {dimension_numbers = #tpu.dot_dimension_numbers<[1], [1], [0], [0], [0, 0, 1, 0], [], []>, transpose_lhs_hint = false} : vector<8x768xf32>, vector<4096x768xf32>, vector<8x4096xf32> -> vector<8x4096xf32>
    %get3A_6 = arith.constant 0 : index
    %get3A_7 = arith.constant 0 : index
    %get3A_8 = vector.load %arg3[%get3A_6, %get3A_7] : memref<8x1xf32, #tpu.memory_space<vmem>>, vector<8x1xf32>
    %add3A = vector.broadcast %get3A_8 : vector<8x1xf32> to vector<8x4096xf32>
    %add3A_9 = arith.addf %dot_general3A_5, %add3A : vector<8x4096xf32>
    %swap3A = arith.constant 0 : index
    %swap3A_10 = arith.constant 0 : index
    %swap3A_11 = vector.load %arg4[%swap3A, %swap3A_10] : memref<8x4096xf32, #tpu.memory_space<vmem>>, vector<8x4096xf32>
    tpu.vector_store %arg4[%swap3A, %swap3A_10], %add3A_9 {strides = array<i32>} : memref<8x4096xf32, #tpu.memory_space<vmem>>, vector<8x4096xf32>,
    return
  }
  func.func @transform_0(%arg0: i32) -> (i32, i32) {
    %add3A = arith.constant 0 : i32
    %add3A_0 = arith.addi %add3A, %arg0 : i32
    %c0_i32 = arith.constant 0 : i32
    %c0_i32_1 = arith.constant 0 : i32
    return %add3A_0, %c0_i32 : i32, i32
  }
  func.func @transform_1(%arg0: i32) -> (i32, i32) {
    %c0_i32 = arith.constant 0 : i32
    %c0_i32_0 = arith.constant 0 : i32
    %c0_i32_1 = arith.constant 0 : i32
    return %c0_i32, %c0_i32_0 : i32, i32
  }
  func.func @transform_2(%arg0: i32) -> (i32, i32) {
    %c0_i32 = arith.constant 0 : i32
    %c0_i32_0 = arith.constant 0 : i32
    %c0_i32_1 = arith.constant 0 : i32
    return %c0_i32, %c0_i32_0 : i32, i32
  }
  func.func @transform_3(%arg0: i32) -> (i32, i32) {
    %c0_i32 = arith.constant 0 : i32
    %c0_i32_0 = arith.constant 0 : i32
    return %c0_i32, %arg0 : i32, i32
  }
}

</mosaic_0001>

<sc_bundles>
// kernel: kernel.5.cloned.1.call-start
scs
__scs_entry_jumppad:
0x0: {  	(pc) =	sbr.rel $0x88, $3  }
0x1: {  	(tag) =	ssettag $0x0;
	lr =	simm.s32 $0x1  }
0x2: {  	[smem:$0x3F9E] =	sst lr;
	_ =	strace $0xD0000000  }
0x3: {  	_ = 	snop  }
0x4: {  	_ = 	snop  }
0x5: {  	_ = 	snop  }
0x6: {  	_ = 	snop  }
0x7: {  	_ = 	snop  }
__scs_overlays_trampoline_lowered:
0x8: {  	[smem:$0x3FAD] =	sst s0  }
0x9: {  	[smem:$0x3FAE] =	sst s1  }
0xa: {  	[smem:$0x3FAF] =	sst s2  }
0xb: {  	[smem:$0x3FB0] =	sst s3  }
0xc: {  	[smem:$0x3FB1] =	sst s4  }
0xd: {  	[smem:$0x3FB2] =	sst s5  }
0xe: {  	[smem:$0x3FB3] =	sst s6  }
0xf: {  	[smem:$0x3FB4] =	sst s7  }
0x10: {  	[smem:$0x3FB5] =	sst s8  }
0x11: {  	[smem:$0x3FB6] =	sst s9;
	s0 =	simm.s32 @!p0 $0x0  }
0x12: {  	s1 =	sld [smem:$0x3F9C];
	s0 =	simm.s32 @p0 $0x1  }
0x13: {  	[smem:$0x3FB7] =	sst s0;
	s0 =	simm.s32 @!p1 $0x0  }
0x14: {  	s2 =	sld [smem:$0x3F9B];
	s0 =	simm.s32 @p1 $0x1  }
0x15: {  	[smem:$0x3FB8] =	sst s0;
	s0 =	simm.s32 @!p2 $0x0  }
0x16: {  	s3 =	sld [smem:$0x3FDB];
	s0 =	simm.s32 @p2 $0x1  }
0x17: {  	s4 =	simm.s32 $0x1BF5;
	[smem:$0x3FBA] =	sst s0  }
0x18: {  	s0 =	sld [smem:$0x3F9D];
	_ =	swait.ge [sflag:s4], $0x0  }
0x19: {  	s7 =	sld [smem:$0x3F9E]  }
0x1a: {  	s8 =	sadd.s32 $0xFFFFE003, lr  }
0x1b: {  	s9 =	sadd.s32 $0xFFFFFEF7, lr;
	s5 =	simm.s32 $0xFFFFFFFF;
	p2 =	slt.u32 s8, $0xFFFFF086  }
0x1c: {  	p1 =	slt.u32 s9, $0xF7A;
	s5 =	simm.s32 @!p2 $0x0  }
0x1d: {  	s5 =	simm.s32 @p1 $0x1;
	p0 =	seq.s32 s7, s2  }
0x1e: {  	s7 =	smul.u32 @!p0 $0xF7A, s2;
	p2 =	seq.s32 @!p0 s5, $0x0  }
0x1f: {  	s9 =	smul.u32 $0xF7A, s1;
	s8 =	simm.s32 @!p0 $0x1BF5;
	p2 =	por !p2, p0  }
0x20: {  	[sflag:s8] =	ssyncset.s32 @!p0 $0xFFFFF086;
	s6 =	sadd.s32 @!p0 s3, s7;
	s7 =	simm.s32 @!p0 $0x108  }
0x21: {  	s3 =	sadd.s32 s3, s9;
	s6 =	sadd.s32 @!p0 $0x88, s6;
	s7 =	simm.s32 @p2 $0x1082  }
0x22: {  	[simem:s7], [sflag:s8] =	dma.local @!p0 [hbm:s6], $0xF7A  }
0x23: {  	s9 =	sor.u32 $0xD0000000, s2;
	s6 =	simm.s32 $0x108;
	_ =	swait.ge @!p0 [sflag:s8], $0x0  }
0x24: {  	s3 =	sadd.s32 $0x88, s3;
	s6 =	simm.s32 @!p1 $0x1082;
	[sflag:s4] =	ssyncset.s32 $0xFFFFF086  }
0x25: {  	[simem:s6], [sflag:s4] =	dma.local [hbm:s3], $0xF7A  }
0x26: {  	[smem:$0x3F9E] =	sst s1;
	(tag) =	ssettag s2;
	_ =	strace s9  }
0x27: {  	s1 =	sld [smem:$0x3FAE]  }
0x28: {  	s2 =	sld [smem:$0x3FAF]  }
0x29: {  	s4 =	sld [smem:$0x3FB1]  }
0x2a: {  	p0 =	seq.s32 s5, $0x0;
	s5 =	sld [smem:$0x3FB2]  }
0x2b: {  	s6 =	sld [smem:$0x3FB3]  }
0x2c: {  	s7 =	sld [smem:$0x3FB4]  }
0x2d: {  	s3 =	simm.s32 $0x108;
	s8 =	sld [smem:$0x3FB5]  }
0x2e: {  	s3 =	simm.s32 @!p0 $0x1082;
	s9 =	sld [smem:$0x3FB6]  }
0x2f: {  	lr =	sadd.s32 s0, s3;
	s0 =	sld [smem:$0x3FAD]  }
0x30: {  	s3 =	sld [smem:$0x3FB0]  }
0x31: {  	[smem:$0x3FB9] =	sst s10  }
0x32: {  	s10 =	sld [smem:$0x3FB7];
	_ =	sdelay $0x3  }
0x33: {  	p0 =	seq.s32 s10, $0x1;
	s10 =	sld [smem:$0x3FB9];
	_ =	sdelay $0x3  }
0x34: {  	[smem:$0x3FB9] =	sst s10  }
0x35: {  	s10 =	sld [smem:$0x3FB8];
	_ =	sdelay $0x3  }
0x36: {  	p1 =	seq.s32 s10, $0x1;
	s10 =	sld [smem:$0x3FB9];
	_ =	sdelay $0x3  }
0x37: {  	[smem:$0x3FB9] =	sst s10  }
0x38: {  	s10 =	sld [smem:$0x3FBA]  }
0x39: {  	_ = 	snop;
	(pc) =	sbr.ind lr, $3  }
0x3a: {  	_ = 	snop  }
0x3b: {  	_ = 	snop  }
0x3c: {  	p2 =	seq.s32 s10, $0x1;
	s10 =	sld [smem:$0x3FB9]  }
0x3d: {  	_ =	shalt  }
0x3e: {  	_ =	shalt  }
0x3f: {  	_ =	shalt  }
0x40: {  	_ =	shalt  }
0x41: {  	_ =	shalt  }
0x42: {  	_ =	shalt  }
0x43: {  	_ =	shalt  }
0x44: {  	_ =	shalt  }
0x45: {  	_ =	shalt  }
0x46: {  	_ =	shalt  }
0x47: {  	_ =	shalt  }
0x48: {  	_ =	shalt  }
0x49: {  	_ =	shalt  }
0x4a: {  	_ =	shalt  }
0x4b: {  	_ =	shalt  }
0x4c: {  	_ =	shalt  }
0x4d: {  	_ =	shalt  }
0x4e: {  	_ =	shalt  }
0x4f: {  	_ =	shalt  }
0x50: {  	_ =	shalt  }
0x51: {  	_ =	shalt  }
0x52: {  	_ =	shalt  }
0x53: {  	_ =	shalt  }
0x54: {  	_ =	shalt  }
0x55: {  	_ =	shalt  }
0x56: {  	_ =	shalt  }
0x57: {  	_ =	shalt  }
0x58: {  	_ =	shalt  }
0x59: {  	_ =	shalt  }
0x5a: {  	_ =	shalt  }
0x5b: {  	_ =	shalt  }
0x5c: {  	_ =	shalt  }
0x5d: {  	_ =	shalt  }
0x5e: {  	_ =	shalt  }
0x5f: {  	_ =	shalt  }
0x60: {  	_ =	shalt  }
0x61: {  	_ =	shalt  }
0x62: {  	_ =	shalt  }
0x63: {  	_ =	shalt  }
0x64: {  	_ =	shalt  }
0x65: {  	_ =	shalt  }
0x66: {  	_ =	shalt  }
0x67: {  	_ =	shalt  }
0x68: {  	_ =	shalt  }
0x69: {  	_ =	shalt  }
0x6a: {  	_ =	shalt  }
0x6b: {  	_ =	shalt  }
0x6c: {  	_ =	shalt  }
0x6d: {  	_ =	shalt  }
0x6e: {  	_ =	shalt  }
0x6f: {  	_ =	shalt  }
0x70: {  	_ =	shalt  }
0x71: {  	_ =	shalt  }
0x72: {  	_ =	shalt  }
0x73: {  	_ =	shalt  }
0x74: {  	_ =	shalt  }
0x75: {  	_ =	shalt  }
0x76: {  	_ =	shalt  }
0x77: {  	_ =	shalt  }
0x78: {  	_ =	shalt  }
0x79: {  	_ =	shalt  }
0x7a: {  	_ =	shalt  }
0x7b: {  	_ =	shalt  }
0x7c: {  	_ =	shalt  }
0x7d: {  	_ =	shalt  }
0x7e: {  	_ =	shalt  }
0x7f: {  	_ =	shalt  }
0x80: {  	_ =	shalt  }
0x81: {  	_ =	shalt  }
0x82: {  	_ =	shalt  }
0x83: {  	_ =	shalt  }
0x84: {  	_ =	shalt  }
0x85: {  	_ =	shalt  }
0x86: {  	_ =	shalt  }
0x87: {  	_ =	shalt  }
.Lfunc_end0:
.L_simem_size_0:
called_computation_lowered:
.L_overlay_start_0:
0x88: {  	s2 =	sld [smem:$0x3FD9]  }
0x89: {  	s3 =	sld [smem:$0x3FFE];
	_ =	sdelay $0x1  }
0x8a: {  	s1 =	srdreg.scid  }
0x8b: {  	s0 =	sand.u32 $0x1, s1  }
0x8c: {  	s14 =	sshll.u32 s0, $0xA;
	s2 =	sadd.s32 s3, s2  }
0x8d: {  	s2 =	sadd.s32 s2, s14  }
0x8e: {  	[smem:$0x3FC5] =	sst s2  }
0x8f: {  	_ = 	snop  }
0x90: {  	s2 =	sld [smem:$0x3FD0];
	_ =	sdelay $0x2  }
0x91: {  	s15 =	simm.s32 $0xA;
	s4 =	simm.s32 $0x10  }
0x92: {  	[smem:s4], [sflag:s15] =	dma.local [hbm:s2], $0x1  }
0x93: {  	_ =	swait.eq [sflag:s15], $0x1  }
0x94: {  	[sflag:s15] =	ssyncset.done $0x0  }
0x95: {  	[sflag:s15] =	ssyncadd.s32 $0xFFFFFFFF  }
0x96: {  	s16 =	sld [smem:$0x11];
	(tm) =	ssettm $0x1  }
0x97: {  	s17 =	sld [smem:$0x3FFB];
	_ =	sdelay $0x3  }
0x98: {  	_ =	strace s17  }
0x99: {  	s3 =	sld [smem:$0x3FFC];
	_ =	sdelay $0x3  }
0x9a: {  	_ =	strace s3  }
0x9b: {  	s3 =	sld [smem:$0x3FFD];
	_ =	sdelay $0x3  }
0x9c: {  	_ =	strace s3  }
0x9d: {  	_ =	strace $0x8FFFFFFF  }
0x9e: {  	s18 =	sld [smem:$0x3FDB];
	_ =	sdelay $0x1  }
0x9f: {  	s19 =	simm.s32 $_scs_section_size  }
0xa0: {  	s5 =	simm.s32 $_size__tile_overlayer_lowered;
	s6 =	simm.s32 $_tile_overlayer_lowered  }
0xa1: {  	s22 =	simm.s32 $0x1BFF;
	s21 =	sshll.u32 s6, $0x1;
	s3 =	sadd.s32 s19, s18  }
0xa2: {  	s7 =	simm.s32 $0x0;
	s20 =	sshll.u32 s5, $0x1;
	s5 =	sadd.s32 s21, s3  }
0xa3: {  	[timem:s7], [sflag:s22] =	dma.local [hbm:s5], s20  }
0xa4: {  	_ =	swait.ge [sflag:s22], s20  }
0xa5: {  	s4 =	ssub.s32 $0x0, s20;
	[sflag:s22] =	ssyncset.done $0x0  }
0xa6: {  	[sflag:s22] =	ssyncadd.s32 s4;
	_ =	sdelay $0x1  }
0xa7: {  	s23 =	simm.s32 $0x1B8B  }
0xa8: {  	_ =	swait.ge [sflag:s23], $0x1  }
0xa9: {  	[sflag:s23] =	ssyncset.done $0x0  }
0xaa: {  	s25 =	simm.s32 $0x1B8E;
	s24 =	sld [smem:$0x3FFE];
	[sflag:s23] =	ssyncadd.s32 $0xFFFFFFFF  }
0xab: {  	s26 =	simm.s32 $execute0_lowered;
	[smem:$0x3FD2] =	sst s25  }
0xac: {  	s5 =	sshll.u32 s26, $0x1;
	_ =	strace $0x80000046;
	[dreg:$0x1] =	wrdreg $0xFFFFFFFF  }
0xad: {  	s28 =	simm.s32 $_size_execute0_lowered;
	s3 =	sadd.s32 s3, s5;
	[dreg:$0x0] =	wrdreg $0x0  }
0xae: {  	s5 =	sshll.u32 s28, $0x1;
	[dreg:$0x2] =	wrdreg s3  }
0xaf: {  	[dreg:$0x3] =	wrdreg s5  }
0xb0: {  	[dreg:$0x4] =	wrdreg $0xC0  }
0xb1: {  	_ =	task [dreg:s7], $0x5FFFF  }
0xb2: {  	[dreg:$0x1] =	wrdreg $0xFFFFFFFF  }
0xb3: {  	[dreg:$0x0] =	wrdreg $0x60  }
0xb4: {  	[dreg:$0x2] =	wrdreg s16  }
0xb5: {  	[dreg:$0x3] =	wrdreg s24  }
0xb6: {  	[dreg:$0x4] =	wrdreg $0x9  }
0xb7: {  	_ =	task.clear_ibuf [dreg:s7], $0x5FFFF;
	_ =	strace $0x90000046  }
0xb8: {  	s29 =	simm.s32 $0x9;
	_ =	strace $0x80000048  }
0xb9: {  	_ =	swait.ge [sflag:s29], $0x1  }
0xba: {  	[sflag:s29] =	ssyncadd.s32 $0xFFFFFFFF  }
0xbb: {  	_ =	strace $0x90000048  }
0xbc: {  	_ =	sfence  }
0xbd: {  	s30 =	sld [smem:$0x0];
	_ =	sdelay $0x2  }
0xbe: {  	s31 =	sshll.u32 s1, $0xD;
	s1 =	sshrl.u32 s1, $0x2  }
0xbf: {  	s3 =	sand.u32 $0x4000, s31;
	s1 =	sadd.s32 s1, s30  }
0xc0: {  	s0 =	sor.u32 s3, s0;
	s1 =	sshll.u32 s1, $0x11  }
0xc1: {  	s0 =	sor.u32 s1, s0  }
0xc2: {  	s0 =	sadd.s32 $0x8F2B, s0  }
0xc3: {  	[sflag:s0] =	ssyncadd.remote.s32 $0x1  }
0xc4: {  	_ =	sfence.sel $0xFFFF  }
0xc5: {  	[dreg:$0x0] =	wrdreg $0xFFFFFFFF;
	(pc) =	sbr.abs _section_cstart, $3  }
0xc6: {  	[dreg:$0x1] =	wrdreg $0xFFFFFFFF  }
0xc7: {  	_ =	task.clear_ibuf [dreg:s7], $0x2FFFF;
	_ =	strace $0x9FFFFFFF  }
0xc8: {  	(tm) =	ssettm $0x7FFFFFFF  }
0xc9: {  	_ =	shalt  }
tec
execute0_lowered:
.L_overlay_start_1:
0x0: {  	(tag) =	ssettag $0x1  }
0x1: {  	s3 =	rddreg [dreg:$0x0]  }
0x2: {  	s4 =	rddreg [dreg:$0x1]  }
0x3: {  	s0 =	rddreg [dreg:$0x2];
	s5 =	srdreg.scid  }
0x4: {  	s1 =	stileid.u32;
	s2 =	simm.s32 $0x0;
	s9 =	simm.s32 $0x500  }
0x5: {  	s10 =	simm.s32 $0x0;
	s5 =	sand.u32 $0x1, s5;
	s6 =	sshll.u32 s1, $0x1  }
0x6: {  	[smem:$0x7FF] =	sst s2;
	s6 =	sor.u32 s5, s6;
	s5 =	ssub.s32 $0x2, s5  }
0x7: {  	_ =	strace $0x80000047;
	s7 =	sshll.u32 s6, $0x5;
	s31 =	sshrl.u32 s5, $0x1  }
0x8: {  	s6 =	sshll.u32 s6, $0x7;
	s7 =	sadd.s32 s7, s4;
	s8 =	ssub.s32 s5, s31  }
0x9: {  	s3 =	sadd.s32 s3, s6;
	s4 =	sadd.s32 $0x1000, s7;
	s5 =	sadd.s32 $0x1400, s7  }
0xa: {  	v0 =	vimm.s32 $0x0;
	s6 =	smax.u32 s8, $0x1;
	s7 =	simm.s32 $0x1;
	s8 =	simm.s32 $0x400  }
.LBB2_1:
0xb: {  	[tilespmem:s2], [sflag:$0x1] =	stream.linear.gather [hbm4b:s3+s2], $0x400, $0x38;
	[tilespmem:$0x600] =	vst v63  }
0xc: {  	_ =	swait.ge [sflag:s7], $0x400  }
0xd: {  	[sflag:s7] =	ssyncset.done $0x0  }
0xe: {  	s13 =	simm.s32 $0x0;
	[sflag:s7] =	ssyncadd.s32 $0xFFFFFC00  }
0xf: {  	v1 =	vld [tilespmem:s13+$0x0]  }
0x10: {  	v2 =	vld [tilespmem:s13+$0x80];
	_ =	sdelay $0x1  }
0x11: {  	v3 =	vld [tilespmem:s13+$0x100];
	_ =	sdelay $0x1  }
0x12: {  	v4 =	vld [tilespmem:s13+$0x180]  }
0x13: {  	vm0 =	vgt.f32 v2, v1  }
0x14: {  	v6 =	vld [tilespmem:s13+$0x200];
	v5 =	vsel vm0, v2, v1  }
0x15: {  	vm1 =	vgt.f32 v3, v5  }
0x16: {  	v7 =	vld [tilespmem:s13+$0x280];
	v5 =	vsel vm1, v3, v5  }
0x17: {  	vm2 =	vgt.f32 v4, v5  }
0x18: {  	v8 =	vld [tilespmem:s13+$0x300];
	v5 =	vsel vm2, v4, v5  }
0x19: {  	vm3 =	vgt.f32 v6, v5  }
0x1a: {  	v9 =	vld [tilespmem:s13+$0x380];
	v5 =	vsel vm3, v6, v5  }
0x1b: {  	v10 =	vsel vm0, $0x1, v0;
	vm0 =	vgt.f32 v7, v5  }
0x1c: {  	v10 =	vsel vm1, $0x2, v10;
	v5 =	vsel vm0, v7, v5  }
0x1d: {  	v10 =	vsel vm2, $0x3, v10;
	vm2 =	vgt.f32 v8, v5  }
0x1e: {  	v10 =	vsel vm3, $0x4, v10;
	v5 =	vsel vm2, v8, v5  }
0x1f: {  	v10 =	vsel vm0, $0x5, v10;
	vm0 =	vgt.f32 v9, v5  }
0x20: {  	v10 =	vsel vm2, $0x6, v10;
	vm0 =	vmneg vm0  }
0x21: {  	s11 =	simm.s32 $0x10;
	v10 =	vnsel vm0, $0x7, v10  }
0x22: {  	v11 =	vld [tilespmem:s11+$0x0];
	vm1 =	veq.s32 v10, $0x0  }
0x23: {  	v12 =	vld [tilespmem:s11+$0x80];
	v1 =	vsel vm1, $0xF149F2CA, v1  }
0x24: {  	vm3 =	veq.s32 v10, $0x1;
	vm1 =	vgt.f32 v1, $-1.000000020e+30  }
0x25: {  	[tilespmem:s13+$0x500] =	vst v10;
	v2 =	vsel vm3, $0xF149F2CA, v2;
	v1 =	vnsel vm1, $0xF149F2CA, v1  }
0x26: {  	v13 =	vld [tilespmem:s11+$0x100];
	vm3 =	veq.s32 v10, $0x2;
	vm1 =	vgt.f32 v2, v1  }
0x27: {  	v1 =	vsel vm1, v2, v1;
	v2 =	vsel vm3, $0xF149F2CA, v3  }
0x28: {  	vm7 =	vgt.f32 v12, v11;
	vm4 =	veq.s32 v10, $0x3;
	v3 =	vld [tilespmem:s11+$0x180];
	vm3 =	vgt.f32 v2, v1  }
0x29: {  	vm2 =	vmand vm2, vm0;
	v1 =	vsel vm3, v2, v1;
	v2 =	vsel vm4, $0xF149F2CA, v4  }
0x2a: {  	v14 =	vld [tilespmem:s11+$0x200];
	v4 =	vsel vm7, v12, v11;
	vm4 =	veq.s32 v10, $0x4;
	vm5 =	vgt.f32 v2, v1  }
0x2b: {  	vm9 =	vgt.f32 v13, v4;
	v1 =	vsel vm5, v2, v1;
	v2 =	vsel vm4, $0xF149F2CA, v6  }
0x2c: {  	v4 =	vsel vm9, v13, v4;
	v6 =	vld [tilespmem:s11+$0x280];
	vm4 =	veq.s32 v10, $0x5;
	vm6 =	vgt.f32 v2, v1  }
0x2d: {  	vm10 =	vgt.f32 v3, v4;
	v1 =	vsel vm6, v2, v1;
	v2 =	vsel vm4, $0xF149F2CA, v7  }
0x2e: {  	v5 =	vsel vm0, v5, v9;
	v10 =	vld [tilespmem:s11+$0x300];
	v4 =	vsel vm10, v3, v4;
	vm8 =	vgt.f32 v2, v1  }
0x2f: {  	vm4 =	vgt.f32 v14, v4;
	v1 =	vsel vm8, v2, v1;
	v2 =	vsel vm2, $0xF149F2CA, v8  }
0x30: {  	v15 =	vld [tilespmem:s11+$0x380];
	v7 =	vsel vm7, $0x1, v0;
	v4 =	vsel vm4, v14, v4;
	vm7 =	vgt.f32 v2, v1  }
0x31: {  	vm14 =	vgt.f32 v6, v4;
	v1 =	vsel vm7, v2, v1;
	v2 =	vnsel vm0, $0xF149F2CA, v9  }
0x32: {  	v7 =	vsel vm9, $0x2, v7;
	v4 =	vsel vm14, v6, v4;
	vm15 =	vgt.f32 v2, v1  }
0x33: {  	v7 =	vsel vm10, $0x3, v7;
	vm2 =	vgt.f32 v10, v4;
	v1 =	vsel vm15, v2, v1  }
0x34: {  	v2 =	vsel vm4, $0x4, v7;
	v9 =	vsel vm2, v10, v4;
	v1 =	vsub.f32 v1, v5  }
0x35: {  	s12 =	simm.s32 $0x20;
	v4 =	vsel vm1, $0x1, v0;
	v2 =	vsel vm14, $0x5, v2;
	vm0 =	vgt.f32 v15, v9  }
0x36: {  	v16 =	vld [tilespmem:s12+$0x0];
	v2 =	vsel vm2, $0x6, v2;
	vm4 =	vmneg vm0;
	v1 =	vmul.f32 $1.442695020e+00, v1  }
0x37: {  	v4 =	vsel vm3, $0x2, v4;
	v5 =	vnsel vm4, $0x7, v2;
	v2 =	vld [tilespmem:s12+$0x80]  }
0x38: {  	v4 =	vsel vm5, $0x3, v4;
	vm0 =	veq.s32 v5, $0x0;
	(erf) = vpow2.f32 v1  }
0x39: {  	vm7 =	vmmov vm7;
	v4 =	vsel vm6, $0x4, v4;
	v7 =	vsel vm0, $0xF149F2CA, v11  }
0x3a: {  	vm2 =	vmand vm2, vm4;
	vm1 =	veq.s32 v5, $0x1;
	vm0 =	vgt.f32 v7, $-1.000000020e+30  }
0x3b: {  	[tilespmem:s11+$0x500] =	vst v5;
	v17 =	vsel vm8, $0x5, v4;
	v8 =	vsel vm1, $0xF149F2CA, v12;
	v7 =	vnsel vm0, $0xF149F2CA, v7  }
0x3c: {  	v1 =	vld [tilespmem:s12+$0x100];
	vm1 =	veq.s32 v5, $0x2;
	vm0 =	vgt.f32 v2, v16;
	vm10 =	vgt.f32 v8, v7  }
0x3d: {  	v11 =	vsel vm0, $0x1, v0;
	v7 =	vsel vm10, v8, v7;
	v8 =	vsel vm1, $0xF149F2CA, v13  }
0x3e: {  	v4 =	vld [tilespmem:s12+$0x180];
	v12 =	vsel vm0, v2, v16;
	vm0 =	veq.s32 v5, $0x3;
	vm9 =	vgt.f32 v8, v7  }
0x3f: {  	v9 =	vsel vm4, v9, v15;
	v3 =	vsel vm0, $0xF149F2CA, v3;
	v7 =	vsel vm9, v8, v7  }
0x40: {  	vm1 =	veq.s32 v5, $0x5;
	vm0 =	veq.s32 v5, $0x4;
	v8 =	vld [tilespmem:s12+$0x200];
	vm8 =	vgt.f32 v3, v7  }
0x41: {  	vm3 =	vgt.f32 v1, v12;
	v13 =	vsel vm0, $0xF149F2CA, v14;
	v3 =	vsel vm8, v3, v7;
	v14 =	vpop (erf)  }
0x42: {  	v12 =	vsel vm3, v1, v12;
	v7 =	vld [tilespmem:s12+$0x280];
	vm0 =	vgt.f32 v13, v3;
	v5 =	vadd.f32 $1.000000000e+00, v14  }
0x43: {  	vm5 =	vgt.f32 v4, v12;
	v3 =	vsel vm0, v13, v3;
	v13 =	vsel vm1, $0xF149F2CA, v6  }
0x44: {  	v12 =	vsel vm5, v4, v12;
	v6 =	vld [tilespmem:s12+$0x300];
	vm1 =	vgt.f32 v13, v3;
	(erf) = vrcp.f32 v5  }
0x45: {  	v10 =	vsel vm2, $0xF149F2CA, v10;
	vm11 =	vgt.f32 v8, v12;
	v5 =	vsel vm1, v13, v3  }
0x46: {  	v11 =	vsel vm3, $0x2, v11;
	v3 =	vld [tilespmem:s12+$0x380];
	v12 =	vsel vm11, v8, v12;
	vm2 =	vgt.f32 v10, v5  }
0x47: {  	vm12 =	vgt.f32 v7, v12;
	v5 =	vsel vm2, v10, v5;
	v10 =	vnsel vm4, $0xF149F2CA, v15  }
0x48: {  	v11 =	vsel vm5, $0x3, v11;
	v12 =	vsel vm12, v7, v12;
	vm3 =	vgt.f32 v10, v5  }
0x49: {  	v11 =	vsel vm11, $0x4, v11;
	vm5 =	vgt.f32 v6, v12;
	v10 =	vsel vm3, v10, v5  }
0x4a: {  	v13 =	vsel vm10, $0x1, v0;
	v5 =	vsel vm5, v6, v12;
	v9 =	vsub.f32 v10, v9  }
0x4b: {  	vm6 =	vmmov vm15;
	v10 =	vsel vm12, $0x5, v11;
	vm4 =	vgt.f32 v3, v5  }
0x4c: {  	s14 =	simm.s32 $0x30;
	v10 =	vsel vm5, $0x6, v10;
	vm4 =	vmneg vm4;
	v9 =	vmul.f32 $1.442695020e+00, v9  }
0x4d: {  	v17 =	vsel vm7, $0x6, v17;
	v15 =	vsel vm9, $0x2, v13;
	v12 =	vld [tilespmem:s14+$0x0];
	v10 =	vnsel vm4, $0x7, v10;
	v13 =	vpop (erf)  }
0x4e: {  	v11 =	vld [tilespmem:s14+$0x80];
	vm7 =	veq.s32 v10, $0x0;
	(erf) = vpow2.f32 v9;
	v9 =	vsel vm8, $0x3, v15;
	[tilespmem:s13+$0x400] =	vst v13  }
0x4f: {  	s15 =	simm.s32 $0x100;
	v15 =	vsel vm6, $0x7, v17;
	v14 =	vmul.f32 v13, v14;
	v13 =	vsel vm7, $0xF149F2CA, v16;
	[tilespmem:s12+$0x500] =	vst v10  }
.LBB2_2:
0x50: {  	vm8 =	vgt.f32 v13, $-1.000000020e+30;
	vm9 =	veq.s32 v10, $0x1  }
0x51: {  	p0 =	sne.s32 s15, $0x1C0;
	v16 =	vld [tilespmem:s14+$0x100];
	v9 =	vsel vm0, $0x4, v9;
	[tilespmem:s13+$0x480] =	vst v14;
	vm7 =	vmmov vm2;
	vm6 =	vmmov vm3  }
0x52: {  	v13 =	vnsel vm8, $0xF149F2CA, v13;
	v14 =	vsel vm9, $0xF149F2CA, v2;
	v9 =	vsel vm1, $0x5, v9;
	[tilespmem:s13+$0x580] =	vst v15;
	v15 =	vmovc v12;
	s13 =	smov.u32 s11;
	s11 =	smov.u32 s12;
	s12 =	smov.u32 s14  }
0x53: {  	vm1 =	veq.s32 v10, $0x2;
	v12 =	vld [tilespmem:s12+$0x180];
	vm0 =	vgt.f32 v11, v15;
	vm10 =	vgt.f32 v14, v13;
	v2 =	vmovc v11  }
0x54: {  	v17 =	vsel vm1, $0xF149F2CA, v1;
	v11 =	vsel vm0, $0x1, v0;
	v13 =	vsel vm10, v14, v13  }
0x55: {  	v14 =	vsel vm0, v2, v15;
	vm0 =	veq.s32 v10, $0x3;
	vm9 =	vgt.f32 v17, v13  }
0x56: {  	v4 =	vsel vm0, $0xF149F2CA, v4;
	vm2 =	vgt.f32 v16, v14;
	v13 =	vsel vm9, v17, v13;
	v1 =	vmovc v16  }
0x57: {  	vm0 =	veq.s32 v10, $0x4;
	v16 =	vld [tilespmem:s12+$0x200];
	v14 =	vsel vm2, v1, v14;
	vm8 =	vgt.f32 v4, v13  }
0x58: {  	v8 =	vsel vm0, $0xF149F2CA, v8;
	vm3 =	vgt.f32 v12, v14;
	v13 =	vsel vm8, v4, v13;
	v17 =	vpop (erf)  }
0x59: {  	vm1 =	veq.s32 v10, $0x5;
	v4 =	vmovc v12;
	v18 =	vld [tilespmem:s12+$0x280];
	vm0 =	vgt.f32 v8, v13;
	v10 =	vadd.f32 $1.000000000e+00, v17  }
0x5a: {  	v7 =	vsel vm1, $0xF149F2CA, v7;
	v12 =	vsel vm3, v4, v14;
	v14 =	vsel vm0, v8, v13  }
0x5b: {  	vm5 =	vmand vm5, vm4;
	v13 =	vld [tilespmem:s12+$0x300];
	vm1 =	vgt.f32 v7, v14;
	(erf) = vrcp.f32 v10  }
0x5c: {  	v6 =	vsel vm5, $0xF149F2CA, v6;
	vm11 =	vgt.f32 v16, v12;
	v19 =	vsel vm1, v7, v14;
	v8 =	vmovc v16  }
0x5d: {  	v11 =	vsel vm2, $0x2, v11;
	v10 =	vld [tilespmem:s12+$0x380];
	v12 =	vsel vm11, v8, v12;
	vm2 =	vgt.f32 v6, v19  }
0x5e: {  	v14 =	vnsel vm4, $0xF149F2CA, v3;
	vm12 =	vgt.f32 v18, v12;
	v16 =	vsel vm2, v6, v19;
	v7 =	vmovc v18  }
0x5f: {  	v11 =	vsel vm3, $0x3, v11;
	v12 =	vsel vm12, v7, v12;
	vm3 =	vgt.f32 v14, v16  }
0x60: {  	v18 =	vsel vm4, v5, v3;
	vm5 =	vgt.f32 v13, v12;
	v14 =	vsel vm3, v14, v16;
	v6 =	vmovc v13  }
0x61: {  	v11 =	vsel vm11, $0x4, v11;
	v5 =	vsel vm5, v6, v12;
	v13 =	vsub.f32 v14, v18  }
.Ltmp0:
0x62: {  	s14 =	sshra.s32 s15, $0x2;
	v11 =	vsel vm12, $0x5, v11;
	v14 =	vsel vm10, $0x1, v0;
	vm4 =	vgt.f32 v10, v5;
	v3 =	vmovc v10;
	(pc) =	sbr.rel @p0 .LBB2_2-.Ltmp0, $4  }
0x63: {  	v10 =	vsel vm5, $0x6, v11;
	v12 =	vld [tilespmem:s14+$0x0];
	vm4 =	vmneg vm4;
	v13 =	vmul.f32 $1.442695020e+00, v13  }
0x64: {  	v18 =	vsel vm7, $0x6, v9;
	v16 =	vsel vm9, $0x2, v14;
	v11 =	vld [tilespmem:s14+$0x80];
	v10 =	vnsel vm4, $0x7, v10;
	v9 =	vpop (erf)  }
0x65: {  	vm7 =	veq.s32 v10, $0x0;
	(erf) = vpow2.f32 v13;
	[tilespmem:s13+$0x400] =	vst v9;
	v14 =	vmul.f32 v9, v17  }
0x66: {  	s15 =	sadd.s32 $0x40, s15;
	v9 =	vsel vm8, $0x3, v16;
	v13 =	vsel vm7, $0xF149F2CA, v15;
	[tilespmem:s12+$0x500] =	vst v10;
	v15 =	vsel vm6, $0x7, v18  }
0x67: {  	v16 =	vld [tilespmem:s14+$0x100];
	[tilespmem:s13+$0x480] =	vst v14  }
0x68: {  	[tilespmem:s13+$0x580] =	vst v15;
	vm6 =	vgt.f32 v13, $-1.000000020e+30;
	vm7 =	veq.s32 v10, $0x1;
	v18 =	vimm.s32 $0x0  }
0x69: {  	vm12 =	veq.s32 v10, $0x2;
	v39 =	vimm.s32 $0x0;
	vm14 =	veq.s32 v10, $0x3;
	v14 =	vld [tilespmem:s14+$0x180]  }
0x6a: {  	v42 =	vimm.s32 $0x0;
	vm15 =	veq.s32 v10, $0x4;
	vm8 =	vgt.f32 v11, v12  }
0x6b: {  	v13 =	vnsel vm6, $0xF149F2CA, v13;
	v2 =	vsel vm7, $0xF149F2CA, v2;
	v17 =	vld [tilespmem:s14+$0x200];
	v36 =	vsel vm8, v11, v12  }
0x6c: {  	v1 =	vsel vm12, $0xF149F2CA, v1;
	vm9 =	vgt.f32 v2, v13;
	vm13 =	vgt.f32 v16, v36  }
0x6d: {  	v38 =	vld [tilespmem:s14+$0x280];
	v18 =	vsel vm9, $0xFFFFFFFF, v18;
	v2 =	vsel vm9, v2, v13;
	v37 =	vsel vm13, v16, v36  }
0x6e: {  	v44 =	vsel vm8, $0x1, v0;
	vm9 =	vgt.f32 v1, v2;
	vm10 =	vgt.f32 v14, v37  }
0x6f: {  	v41 =	vld [tilespmem:s14+$0x300];
	v1 =	vsel vm9, v1, v2;
	v2 =	vsel vm14, $0xF149F2CA, v4;
	v40 =	vsel vm10, v14, v37  }
0x70: {  	[tilespmem:$0x1FFD0] =	vst v18;
	v18 =	vsel vm9, $0xFFFFFFFF, v39;
	vm9 =	vgt.f32 v2, v1;
	vm11 =	vgt.f32 v17, v40  }
0x71: {  	v43 =	vld [tilespmem:s14+$0x380];
	v1 =	vsel vm9, v2, v1;
	v2 =	vsel vm15, $0xF149F2CA, v8;
	v4 =	vsel vm11, v17, v40  }
0x72: {  	[tilespmem:$0x1FFE0] =	vst v18;
	v18 =	vsel vm9, $0xFFFFFFFF, v42;
	vm9 =	vgt.f32 v2, v1;
	vm6 =	vgt.f32 v38, v4  }
0x73: {  	v1 =	vsel vm9, v2, v1;
	v2 =	vsel vm13, $0x2, v44;
	v4 =	vsel vm6, v38, v4  }
0x74: {  	v2 =	vsel vm10, $0x3, v2;
	vm15 =	vgt.f32 v41, v4  }
0x75: {  	vm7 =	veq.s32 v10, $0x5;
	v2 =	vsel vm11, $0x4, v2;
	v4 =	vsel vm15, v41, v4  }
0x76: {  	vm12 =	vmand vm5, vm4;
	v2 =	vsel vm6, $0x5, v2;
	vm11 =	vgt.f32 v43, v4  }
0x77: {  	v7 =	vsel vm7, $0xF149F2CA, v7;
	v2 =	vsel vm15, $0x6, v2;
	vm5 =	vmneg vm11  }
0x78: {  	v45 =	vnsel vm4, $0xF149F2CA, v3;
	vm10 =	vgt.f32 v7, v1;
	v2 =	vnsel vm5, $0x7, v2  }
0x79: {  	v6 =	vsel vm12, $0xF149F2CA, v6;
	v1 =	vsel vm10, v7, v1;
	vm13 =	veq.s32 v2, $0x0  }
0x7a: {  	v3 =	vsel vm4, v5, v3;
	vm8 =	vgt.f32 v6, v1;
	v46 =	vsel vm13, $0xF149F2CA, v12  }
0x7b: {  	v1 =	vsel vm8, v6, v1;
	vm11 =	veq.s32 v2, $0x1;
	vm14 =	vgt.f32 v46, $-1.000000020e+30  }
0x7c: {  	vm7 =	vgt.f32 v45, v1;
	v48 =	vsel vm11, $0xF149F2CA, v11;
	v47 =	vnsel vm14, $0xF149F2CA, v46  }
0x7d: {  	v1 =	vsel vm7, v45, v1;
	vm12 =	veq.s32 v2, $0x2;
	vm11 =	vgt.f32 v48, v47  }
0x7e: {  	v49 =	vpop (erf);
	v1 =	vsub.f32 v1, v3;
	v50 =	vsel vm12, $0xF149F2CA, v16;
	v3 =	vsel vm11, v48, v47  }
0x7f: {  	v51 =	vadd.f32 $1.000000000e+00, v49;
	vm13 =	veq.s32 v2, $0x3;
	vm12 =	vgt.f32 v50, v3  }
0x80: {  	v1 =	vmul.f32 $1.442695020e+00, v1;
	v52 =	vsel vm13, $0xF149F2CA, v14;
	v3 =	vsel vm12, v50, v3  }
0x81: {  	(erf) = vrcp.f32 v51;
	vm14 =	veq.s32 v2, $0x4;
	vm13 =	vgt.f32 v52, v3  }
0x82: {  	(erf) = vpow2.f32 v1;
	v53 =	vsel vm14, $0xF149F2CA, v17;
	v1 =	vsel vm13, v52, v3  }
0x83: {  	vm4 =	veq.s32 v2, $0x5;
	vm14 =	vgt.f32 v53, v1  }
0x84: {  	v3 =	vsel vm4, $0xF149F2CA, v38;
	v1 =	vsel vm14, v53, v1  }
0x85: {  	vm4 =	vmand vm15, vm5;
	vm15 =	vgt.f32 v3, v1  }
0x86: {  	v54 =	vsel vm4, $0xF149F2CA, v41;
	v1 =	vsel vm15, v3, v1  }
0x87: {  	vm4 =	vgt.f32 v54, v1  }
0x88: {  	v3 =	vnsel vm5, $0xF149F2CA, v43;
	v1 =	vsel vm4, v54, v1  }
0x89: {  	vm6 =	vgt.f32 v3, v1  }
0x8a: {  	v4 =	vsel vm5, v4, v43;
	v55 =	vpop (erf);
	v1 =	vsel vm6, v3, v1  }
0x8b: {  	v3 =	vpop (erf);
	v1 =	vsub.f32 v1, v4  }
0x8c: {  	v56 =	vadd.f32 $1.000000000e+00, v3  }
0x8d: {  	v1 =	vmul.f32 $1.442695020e+00, v1  }
0x8e: {  	(erf) = vrcp.f32 v56  }
0x8f: {  	(erf) = vpow2.f32 v1;
	_ =	sdelay $0x5  }
0x90: {  	v60 =	vld [tilespmem:$0x1FFD0]  }
0x91: {  	v61 =	vld [tilespmem:$0x1FFE0];
	[tilespmem:$0x1FFF0] =	vst v18  }
0x92: {  	[tilespmem:s11+$0x400] =	vst v55;
	v1 =	vpop (erf)  }
0x93: {  	[tilespmem:s14+$0x500] =	vst v2;
	v2 =	vld [tilespmem:$0x1FFF0];
	v57 =	vpop (erf)  }
0x94: {  	v59 =	vsel vm0, $0x4, v9;
	v58 =	vadd.f32 $1.000000000e+00, v57  }
0x95: {  	v7 =	vsel vm1, $0x5, v59;
	vm5 =	vnez.u8 v60  }
0x96: {  	v8 =	vsel vm5, $0x1, v0;
	vm5 =	vnez.u8 v61;
	(erf) = vrcp.f32 v58  }
0x97: {  	v5 =	vmul.f32 v55, v49;
	v8 =	vsel vm5, $0x2, v8;
	vm5 =	vmmov vm2  }
0x98: {  	vm0 =	vmmov vm3;
	v7 =	vsel vm5, $0x6, v7;
	vm5 =	vnez.u8 v2  }
0x99: {  	[tilespmem:s11+$0x480] =	vst v5;
	v63 =	vsel vm11, $0x1, v0;
	v2 =	vsel vm5, $0x3, v8;
	v62 =	vsel vm0, $0x7, v7  }
0x9a: {  	v5 =	vsel vm12, $0x2, v63;
	v2 =	vsel vm9, $0x4, v2;
	vm9 =	vmmov vm8;
	[tilespmem:s11+$0x580] =	vst v62  }
0x9b: {  	v2 =	vsel vm10, $0x5, v2;
	v3 =	vmul.f32 v1, v3;
	[tilespmem:s12+$0x400] =	vst v1;
	v1 =	vsel vm13, $0x3, v5  }
0x9c: {  	vm12 =	vmmov vm7;
	v2 =	vsel vm9, $0x6, v2;
	v1 =	vsel vm14, $0x4, v1  }
0x9d: {  	v2 =	vsel vm12, $0x7, v2;
	vm14 =	vmmov vm4;
	v1 =	vsel vm15, $0x5, v1  }
0x9e: {  	[tilespmem:s12+$0x580] =	vst v2;
	vm15 =	vmmov vm6;
	v1 =	vsel vm14, $0x6, v1  }
0x9f: {  	[tilespmem:s12+$0x480] =	vst v3;
	v1 =	vsel vm15, $0x7, v1;
	v3 =	vpop (erf)  }
0xa0: {  	[tilespmem:s14+$0x580] =	vst v1;
	v2 =	vmul.f32 v3, v57  }
0xa1: {  	[tilespmem:s14+$0x400] =	vst v3  }
0xa2: {  	[tilespmem:s14+$0x480] =	vst v2  }
0xa3: {  	[hbm4b:s4+s2] =	stream.linear.scatter [tilespmem:s8], [sflag:$0x1], $0x100, $0x38;
	[tilespmem:$0x600] =	vst v63  }
0xa4: {  	s10 =	sadd.s32 $0x1, s10;
	_ =	swait.ge [sflag:s7], $0x100  }
0xa5: {  	p0 =	sne.s32 s10, s6;
	[sflag:s7] =	ssyncset.done $0x0  }
.Ltmp1:
0xa6: {  	[sflag:s7] =	ssyncadd.s32 $0xFFFFFF00;
	(pc) =	sbr.rel @p0 .LBB2_1-.Ltmp1, $4  }
0xa7: {  	[hbm4b:s5+s2] =	stream.linear.scatter [tilespmem:s9], [sflag:$0x1], $0x100, $0x38;
	[tilespmem:$0x600] =	vst v63  }
0xa8: {  	_ =	swait.ge [sflag:s7], $0x100  }
0xa9: {  	[sflag:s7] =	ssyncset.done $0x0  }
0xaa: {  	[sflag:s7] =	ssyncadd.s32 $0xFFFFFF00  }
0xab: {  	_ =	sfence.sel $0x180000  }
0xac: {  	[bflag:$0x0] =	sbarrier.arrive $0xFFFF  }
0xad: {  	p0 =	sne.s32 s1, $0x0;
	_ =	strace $0x90000047  }
0xae: {  	s0 =	sadd.s32 @!p0 $0x100000, s0;
	[bflag:$0x2] =	sbarrier.arrive $0xFFFF  }
0xaf: {  	[sflag:s0] =	ssyncadd.tile.s32 @!p0 $0x1;
	_ =	shalt  }
.Lfunc_end2:
_tile_overlayer_lowered:
.L_overlay_start_2:
0xb0: {  	(tag) =	ssettag $0x2  }
0xb1: {  	s0 =	rddreg [dreg:$0x0];
	s2 =	stileid.u32  }
0xb2: {  	s1 =	rddreg [dreg:$0x1];
	p0 =	sne.s32 s2, $0x0  }
0xb3: {  	s3 =	rddreg [dreg:$0x2];
	[bflag:$0x3] =	sbarrier.arrive $0xFFFF;
	s2 =	simm.s32 @!p0 $0x1C01  }
0xb4: {  	[timem:s3], [sflag:s2] =	dma.local @!p0 [hbm:s0], s1  }
0xb5: {  	s0 =	simm.s32 @!p0 $0x1  }
0xb6: {  	_ =	swait.ge @!p0 [sflag:s0], s1  }
0xb7: {  	s1 =	ssub.s32 @!p0 $0x0, s1;
	[sflag:s0] =	ssyncset.done @!p0 $0x0  }
0xb8: {  	[sflag:s0] =	ssyncadd.s32 @!p0 s1  }
0xb9: {  	[bflag:$0x3] =	sbarrier.arrive $0xFFFF  }
0xba: {  	_ =	shalt  }

</sc_bundles>
